<compile_context>
chip_gen: v7x
topology: tpu7x:2x2x1
jax: 0.10.2.dev20260603
libtpu: 0.0.44.dev20260713+nightly
codegen_flags: <defaults>
</compile_context>

<pallas_src>
import functools

import jax
import jax.numpy as jnp
from jax import lax
from jax.experimental import pallas as pl
from jax.experimental.pallas import tpu as pltpu
from jax.experimental.pallas import tpu_sc as plsc

_B, _T, _V = 64, 32, 32768
_N = _B * _T


def _sc_gather(rows_view, tgt_flat):
    info = plsc.get_sparse_core_info()
    nc, ns = info.num_cores, info.num_subcores
    nw = nc * ns
    per_w = _N // nw
    ngrp = per_w // 16
    mesh = plsc.VectorSubcoreMesh(core_axis_name="c", subcore_axis_name="s")

    @functools.partial(
        pl.kernel,
        mesh=mesh,
        out_type=jax.ShapeDtypeStruct((_N,), jnp.float32),
        compiler_params=pltpu.CompilerParams(needs_layout_passes=False),
        scratch_types=[
            pltpu.VMEM((per_w,), jnp.int32),
            pltpu.VMEM((per_w,), jnp.int32),
            pltpu.VMEM((per_w, 128), jnp.float32),
            pltpu.VMEM((per_w,), jnp.float32),
            pltpu.SemaphoreType.DMA,
        ],
    )
    def body(rows_hbm, tgt_hbm, out_hbm, tgt_v, idx_v, buf_v, vals_v, sem):
        wid = lax.axis_index("s") * nc + lax.axis_index("c")
        base = wid * per_w
        pltpu.sync_copy(tgt_hbm.at[pl.ds(base, per_w)], tgt_v)
        lane = lax.iota(jnp.int32, 16)
        for j in range(ngrp):
            tv = tgt_v[pl.ds(j * 16, 16)]
            e16 = base + j * 16 + lane
            b16 = jnp.right_shift(e16, 5)
            tpos = jnp.bitwise_and(e16, 31)
            const = (
                b16 * 8192
                + jnp.right_shift(tpos, 3) * 2048
                + jnp.bitwise_and(tpos, 7)
            )
            idx_v[pl.ds(j * 16, 16)] = const + jnp.right_shift(tv, 7) * 8
        pltpu.async_copy(rows_hbm.at[idx_v], buf_v, sem).wait()
        for j in range(ngrp):
            tv = tgt_v[pl.ds(j * 16, 16)]
            col = jnp.bitwise_and(tv, 127)
            vals_v[pl.ds(j * 16, 16)] = plsc.load_gather(
                buf_v, [j * 16 + lane, col]
            )
        pltpu.sync_copy(vals_v, out_hbm.at[pl.ds(base, per_w)])

    return body(rows_view, tgt_flat)


def _tc_loss(vals_ref, mask_ref, out_ref):
    v = vals_ref[...]
    m = mask_ref[...]
    ce = -jnp.log(v)
    out_ref[0, 0] = jnp.sum(ce * m) / jnp.sum(m)


def kernel(input, target, mask):
    rows_view = (
        input.reshape(_B, _T // 8, 8, _V // 128, 128)
        .transpose(0, 1, 3, 2, 4)
        .reshape(_B * (_T // 8) * (_V // 128) * 8, 128)
    )
    tgt = target.reshape(-1)
    vals = _sc_gather(rows_view, tgt)
    mask_f = mask.reshape(16, 128).astype(jnp.float32)
    out = pl.pallas_call(
        _tc_loss,
        out_shape=jax.ShapeDtypeStruct((1, 1), jnp.float32),
        out_specs=pl.BlockSpec(memory_space=pltpu.SMEM),
    )(vals.reshape(16, 128), mask_f)
    return out[0, 0]

# --- scband reference (transcript-rebuilt; emitter-appended) ---
"""Pipeline reference for scband-sequence-loss-41566693491233 (READ-ONLY COPY).

The authoritative reference and input builder live on the scoring server;
editing this copy changes nothing except your own understanding.
"""

import jax, jax.numpy as jnp
import numpy as np

B, T, V = 64, 32, 32768

def setup_inputs(seed: int = 0) -> dict:
    key = jax.random.key(seed)
    k1, k2, k3 = jax.random.split(key, 3)
    inp = jax.random.uniform(k1, (B, T, V), dtype=jnp.float32, minval=1e-4, maxval=1.0)
    target = jax.random.randint(k2, (B, T), 0, V, dtype=jnp.int32)
    mask = jax.random.randint(k3, (B, T), 0, 2, dtype=jnp.int32).astype(bool)
    return {"input": inp, "target": target, "mask": mask}

def reference(input, target, mask):
    # prob = input.gather(2, target.unsqueeze(2)).squeeze(2)
    prob = jnp.take_along_axis(input, target[..., None].astype(jnp.int32), axis=2)[..., 0]
    cross_entropy = -jnp.log(prob)
    # masked_select(mask).mean() == sum(ce * mask) / count(mask)
    count = jnp.sum(mask).astype(jnp.float32)
    loss = jnp.sum(jnp.where(mask, cross_entropy, 0.0)) / count
    return loss

if __name__ == "__main__":
    import jax
    _d = setup_inputs()
    print(jax.jit(kernel)(*tuple(_d.values())))

</pallas_src>

<mosaic_0001>
#map = affine_map<(d0, d1) -> (0, 0)>
#map1 = affine_map<(d0, d1) -> (0)>
module attributes {stable_mosaic.version = 14 : i64} {
  func.func @body(%arg0: i32, %arg1: i32, %arg2: memref<524288x128xf32, #tpu.memory_space<hbm>>, %arg3: memref<2048xi32, #tpu.memory_space<hbm>>, %arg4: memref<2048xf32, #tpu.memory_space<hbm>>, %arg5: memref<64xi32, #tpu.memory_space<vmem>>, %arg6: memref<64xi32, #tpu.memory_space<vmem>>, %arg7: memref<64x128xf32, #tpu.memory_space<vmem>>, %arg8: memref<64xf32, #tpu.memory_space<vmem>>, %arg9: memref<!tpu.dma_semaphore, #tpu.memory_space<semaphore_mem>>) attributes {dimension_semantics = [#tpu.dimension_semantics<core_parallel>, #tpu.dimension_semantics<subcore_parallel>], iteration_bounds = array<i64: 2, 16>, scalar_prefetch = 0 : i64, scratch_operands = 5 : i64, tpu.core_type = #tpu.core_type<sc_vector_subcore>, window_params = [{transform_indices = #map}, {transform_indices = #map1}, {transform_indices = #map1}]} {
    %mul3A = arith.constant 2 : i32
    %mul3A_0 = arith.muli %arg1, %mul3A : i32
    %add3A = arith.addi %mul3A_0, %arg0 : i32
    %mul3A_1 = arith.constant 64 : i32
    %mul3A_2 = arith.muli %add3A, %mul3A_1 : i32
    "tpu.region"() ({
      %run_scoped3A = tpu.sem_alloc : memref<!tpu.dma_semaphore, #tpu.memory_space<semaphore_mem>>
      %dma_start3A_186 = tpu.memref_slice %arg3[%mul3A_2] : memref<2048xi32, #tpu.memory_space<hbm>> -> memref<64xi32, #tpu.memory_space<hbm>>
      %dma_start3A_187 = tpu.memref_slice %arg3[%mul3A_2] : memref<2048xi32, #tpu.memory_space<hbm>> -> memref<64xi32, #tpu.memory_space<hbm>>
      tpu.enqueue_dma source(%dma_start3A_187 : memref<64xi32, #tpu.memory_space<hbm>>) target(%arg5 : memref<64xi32, #tpu.memory_space<vmem>>) target_semaphore(%run_scoped3A : memref<!tpu.dma_semaphore, #tpu.memory_space<semaphore_mem>>)
      %dma_wait3A_188 = tpu.memref_slice %arg3[%mul3A_2] : memref<2048xi32, #tpu.memory_space<hbm>> -> memref<64xi32, #tpu.memory_space<hbm>>
      %dma_wait3A_189 = tpu.memref_slice %arg3[%mul3A_2] : memref<2048xi32, #tpu.memory_space<hbm>> -> memref<64xi32, #tpu.memory_space<hbm>>
      tpu.wait_dma2 semaphore(%run_scoped3A : memref<!tpu.dma_semaphore, #tpu.memory_space<semaphore_mem>>) src(%dma_wait3A_189 : memref<64xi32, #tpu.memory_space<hbm>>) dst(%arg5 : memref<64xi32, #tpu.memory_space<vmem>>)
      tpu.yield
    }) : () -> ()
    %iota3A = tpu.iota {dimensions = array<i32: 0>} : vector<16xi32>
    %get3A = arith.constant 0 : index
    %get3A_3 = tpu.vector_load %arg5[%get3A] {strides = array<i32>} : memref<64xi32, #tpu.memory_space<vmem>>, vector<16xi32>,
    %add3A_4 = arith.constant 0 : i32
    %add3A_5 = arith.addi %mul3A_2, %add3A_4 : i32
    %add3A_6 = vector.broadcast %add3A_5 : i32 to vector<16xi32>
    %add3A_7 = arith.addi %add3A_6, %iota3A : vector<16xi32>
    %shift_right_arithmetic3A = arith.constant 5 : i32
    %shift_right_arithmetic3A_8 = vector.broadcast %shift_right_arithmetic3A : i32 to vector<16xi32>
    %shift_right_arithmetic3A_9 = arith.shrsi %add3A_7, %shift_right_arithmetic3A_8 : vector<16xi32>
    %and3A = arith.constant 31 : i32
    %and3A_10 = vector.broadcast %and3A : i32 to vector<16xi32>
    %and3A_11 = arith.andi %add3A_7, %and3A_10 : vector<16xi32>
    %mul3A_12 = arith.constant 8192 : i32
    %mul3A_13 = vector.broadcast %mul3A_12 : i32 to vector<16xi32>
    %mul3A_14 = arith.muli %shift_right_arithmetic3A_9, %mul3A_13 : vector<16xi32>
    %shift_right_arithmetic3A_15 = arith.constant 3 : i32
    %shift_right_arithmetic3A_16 = vector.broadcast %shift_right_arithmetic3A_15 : i32 to vector<16xi32>
    %shift_right_arithmetic3A_17 = arith.shrsi %and3A_11, %shift_right_arithmetic3A_16 : vector<16xi32>
    %mul3A_18 = arith.constant 2048 : i32
    %mul3A_19 = vector.broadcast %mul3A_18 : i32 to vector<16xi32>
    %mul3A_20 = arith.muli %shift_right_arithmetic3A_17, %mul3A_19 : vector<16xi32>
    %add3A_21 = arith.addi %mul3A_14, %mul3A_20 : vector<16xi32>
    %and3A_22 = arith.constant 7 : i32
    %and3A_23 = vector.broadcast %and3A_22 : i32 to vector<16xi32>
    %and3A_24 = arith.andi %and3A_11, %and3A_23 : vector<16xi32>
    %add3A_25 = arith.addi %add3A_21, %and3A_24 : vector<16xi32>
    %shift_right_arithmetic3A_26 = arith.constant 7 : i32
    %shift_right_arithmetic3A_27 = vector.broadcast %shift_right_arithmetic3A_26 : i32 to vector<16xi32>
    %shift_right_arithmetic3A_28 = arith.shrsi %get3A_3, %shift_right_arithmetic3A_27 : vector<16xi32>
    %mul3A_29 = arith.constant 8 : i32
    %mul3A_30 = vector.broadcast %mul3A_29 : i32 to vector<16xi32>
    %mul3A_31 = arith.muli %shift_right_arithmetic3A_28, %mul3A_30 : vector<16xi32>
    %add3A_32 = arith.addi %add3A_25, %mul3A_31 : vector<16xi32>
    %swap3A = arith.constant 0 : index
    %swap3A_33 = tpu.vector_load %arg6[%swap3A] {strides = array<i32>} : memref<64xi32, #tpu.memory_space<vmem>>, vector<16xi32>,
    tpu.vector_store %arg6[%swap3A], %add3A_32 {strides = array<i32>} : memref<64xi32, #tpu.memory_space<vmem>>, vector<16xi32>,
    %get3A_34 = arith.constant 16 : index
    %get3A_35 = tpu.vector_load %arg5[%get3A_34] {strides = array<i32>} : memref<64xi32, #tpu.memory_space<vmem>>, vector<16xi32>,
    %add3A_36 = arith.constant 16 : i32
    %add3A_37 = arith.addi %mul3A_2, %add3A_36 : i32
    %add3A_38 = vector.broadcast %add3A_37 : i32 to vector<16xi32>
    %add3A_39 = arith.addi %add3A_38, %iota3A : vector<16xi32>
    %shift_right_arithmetic3A_40 = arith.constant 5 : i32
    %shift_right_arithmetic3A_41 = vector.broadcast %shift_right_arithmetic3A_40 : i32 to vector<16xi32>
    %shift_right_arithmetic3A_42 = arith.shrsi %add3A_39, %shift_right_arithmetic3A_41 : vector<16xi32>
    %and3A_43 = arith.constant 31 : i32
    %and3A_44 = vector.broadcast %and3A_43 : i32 to vector<16xi32>
    %and3A_45 = arith.andi %add3A_39, %and3A_44 : vector<16xi32>
    %mul3A_46 = arith.constant 8192 : i32
    %mul3A_47 = vector.broadcast %mul3A_46 : i32 to vector<16xi32>
    %mul3A_48 = arith.muli %shift_right_arithmetic3A_42, %mul3A_47 : vector<16xi32>
    %shift_right_arithmetic3A_49 = arith.constant 3 : i32
    %shift_right_arithmetic3A_50 = vector.broadcast %shift_right_arithmetic3A_49 : i32 to vector<16xi32>
    %shift_right_arithmetic3A_51 = arith.shrsi %and3A_45, %shift_right_arithmetic3A_50 : vector<16xi32>
    %mul3A_52 = arith.constant 2048 : i32
    %mul3A_53 = vector.broadcast %mul3A_52 : i32 to vector<16xi32>
    %mul3A_54 = arith.muli %shift_right_arithmetic3A_51, %mul3A_53 : vector<16xi32>
    %add3A_55 = arith.addi %mul3A_48, %mul3A_54 : vector<16xi32>
    %and3A_56 = arith.constant 7 : i32
    %and3A_57 = vector.broadcast %and3A_56 : i32 to vector<16xi32>
    %and3A_58 = arith.andi %and3A_45, %and3A_57 : vector<16xi32>
    %add3A_59 = arith.addi %add3A_55, %and3A_58 : vector<16xi32>
    %shift_right_arithmetic3A_60 = arith.constant 7 : i32
    %shift_right_arithmetic3A_61 = vector.broadcast %shift_right_arithmetic3A_60 : i32 to vector<16xi32>
    %shift_right_arithmetic3A_62 = arith.shrsi %get3A_35, %shift_right_arithmetic3A_61 : vector<16xi32>
    %mul3A_63 = arith.constant 8 : i32
    %mul3A_64 = vector.broadcast %mul3A_63 : i32 to vector<16xi32>
    %mul3A_65 = arith.muli %shift_right_arithmetic3A_62, %mul3A_64 : vector<16xi32>
    %add3A_66 = arith.addi %add3A_59, %mul3A_65 : vector<16xi32>
    %swap3A_67 = arith.constant 16 : index
    %swap3A_68 = tpu.vector_load %arg6[%swap3A_67] {strides = array<i32>} : memref<64xi32, #tpu.memory_space<vmem>>, vector<16xi32>,
    tpu.vector_store %arg6[%swap3A_67], %add3A_66 {strides = array<i32>} : memref<64xi32, #tpu.memory_space<vmem>>, vector<16xi32>,
    %get3A_69 = arith.constant 32 : index
    %get3A_70 = tpu.vector_load %arg5[%get3A_69] {strides = array<i32>} : memref<64xi32, #tpu.memory_space<vmem>>, vector<16xi32>,
    %add3A_71 = arith.constant 32 : i32
    %add3A_72 = arith.addi %mul3A_2, %add3A_71 : i32
    %add3A_73 = vector.broadcast %add3A_72 : i32 to vector<16xi32>
    %add3A_74 = arith.addi %add3A_73, %iota3A : vector<16xi32>
    %shift_right_arithmetic3A_75 = arith.constant 5 : i32
    %shift_right_arithmetic3A_76 = vector.broadcast %shift_right_arithmetic3A_75 : i32 to vector<16xi32>
    %shift_right_arithmetic3A_77 = arith.shrsi %add3A_74, %shift_right_arithmetic3A_76 : vector<16xi32>
    %and3A_78 = arith.constant 31 : i32
    %and3A_79 = vector.broadcast %and3A_78 : i32 to vector<16xi32>
    %and3A_80 = arith.andi %add3A_74, %and3A_79 : vector<16xi32>
    %mul3A_81 = arith.constant 8192 : i32
    %mul3A_82 = vector.broadcast %mul3A_81 : i32 to vector<16xi32>
    %mul3A_83 = arith.muli %shift_right_arithmetic3A_77, %mul3A_82 : vector<16xi32>
    %shift_right_arithmetic3A_84 = arith.constant 3 : i32
    %shift_right_arithmetic3A_85 = vector.broadcast %shift_right_arithmetic3A_84 : i32 to vector<16xi32>
    %shift_right_arithmetic3A_86 = arith.shrsi %and3A_80, %shift_right_arithmetic3A_85 : vector<16xi32>
    %mul3A_87 = arith.constant 2048 : i32
    %mul3A_88 = vector.broadcast %mul3A_87 : i32 to vector<16xi32>
    %mul3A_89 = arith.muli %shift_right_arithmetic3A_86, %mul3A_88 : vector<16xi32>
    %add3A_90 = arith.addi %mul3A_83, %mul3A_89 : vector<16xi32>
    %and3A_91 = arith.constant 7 : i32
    %and3A_92 = vector.broadcast %and3A_91 : i32 to vector<16xi32>
    %and3A_93 = arith.andi %and3A_80, %and3A_92 : vector<16xi32>
    %add3A_94 = arith.addi %add3A_90, %and3A_93 : vector<16xi32>
    %shift_right_arithmetic3A_95 = arith.constant 7 : i32
    %shift_right_arithmetic3A_96 = vector.broadcast %shift_right_arithmetic3A_95 : i32 to vector<16xi32>
    %shift_right_arithmetic3A_97 = arith.shrsi %get3A_70, %shift_right_arithmetic3A_96 : vector<16xi32>
    %mul3A_98 = arith.constant 8 : i32
    %mul3A_99 = vector.broadcast %mul3A_98 : i32 to vector<16xi32>
    %mul3A_100 = arith.muli %shift_right_arithmetic3A_97, %mul3A_99 : vector<16xi32>
    %add3A_101 = arith.addi %add3A_94, %mul3A_100 : vector<16xi32>
    %swap3A_102 = arith.constant 32 : index
    %swap3A_103 = tpu.vector_load %arg6[%swap3A_102] {strides = array<i32>} : memref<64xi32, #tpu.memory_space<vmem>>, vector<16xi32>,
    tpu.vector_store %arg6[%swap3A_102], %add3A_101 {strides = array<i32>} : memref<64xi32, #tpu.memory_space<vmem>>, vector<16xi32>,
    %get3A_104 = arith.constant 48 : index
    %get3A_105 = tpu.vector_load %arg5[%get3A_104] {strides = array<i32>} : memref<64xi32, #tpu.memory_space<vmem>>, vector<16xi32>,
    %add3A_106 = arith.constant 48 : i32
    %add3A_107 = arith.addi %mul3A_2, %add3A_106 : i32
    %add3A_108 = vector.broadcast %add3A_107 : i32 to vector<16xi32>
    %add3A_109 = arith.addi %add3A_108, %iota3A : vector<16xi32>
    %shift_right_arithmetic3A_110 = arith.constant 5 : i32
    %shift_right_arithmetic3A_111 = vector.broadcast %shift_right_arithmetic3A_110 : i32 to vector<16xi32>
    %shift_right_arithmetic3A_112 = arith.shrsi %add3A_109, %shift_right_arithmetic3A_111 : vector<16xi32>
    %and3A_113 = arith.constant 31 : i32
    %and3A_114 = vector.broadcast %and3A_113 : i32 to vector<16xi32>
    %and3A_115 = arith.andi %add3A_109, %and3A_114 : vector<16xi32>
    %mul3A_116 = arith.constant 8192 : i32
    %mul3A_117 = vector.broadcast %mul3A_116 : i32 to vector<16xi32>
    %mul3A_118 = arith.muli %shift_right_arithmetic3A_112, %mul3A_117 : vector<16xi32>
    %shift_right_arithmetic3A_119 = arith.constant 3 : i32
    %shift_right_arithmetic3A_120 = vector.broadcast %shift_right_arithmetic3A_119 : i32 to vector<16xi32>
    %shift_right_arithmetic3A_121 = arith.shrsi %and3A_115, %shift_right_arithmetic3A_120 : vector<16xi32>
    %mul3A_122 = arith.constant 2048 : i32
    %mul3A_123 = vector.broadcast %mul3A_122 : i32 to vector<16xi32>
    %mul3A_124 = arith.muli %shift_right_arithmetic3A_121, %mul3A_123 : vector<16xi32>
    %add3A_125 = arith.addi %mul3A_118, %mul3A_124 : vector<16xi32>
    %and3A_126 = arith.constant 7 : i32
    %and3A_127 = vector.broadcast %and3A_126 : i32 to vector<16xi32>
    %and3A_128 = arith.andi %and3A_115, %and3A_127 : vector<16xi32>
    %add3A_129 = arith.addi %add3A_125, %and3A_128 : vector<16xi32>
    %shift_right_arithmetic3A_130 = arith.constant 7 : i32
    %shift_right_arithmetic3A_131 = vector.broadcast %shift_right_arithmetic3A_130 : i32 to vector<16xi32>
    %shift_right_arithmetic3A_132 = arith.shrsi %get3A_105, %shift_right_arithmetic3A_131 : vector<16xi32>
    %mul3A_133 = arith.constant 8 : i32
    %mul3A_134 = vector.broadcast %mul3A_133 : i32 to vector<16xi32>
    %mul3A_135 = arith.muli %shift_right_arithmetic3A_132, %mul3A_134 : vector<16xi32>
    %add3A_136 = arith.addi %add3A_129, %mul3A_135 : vector<16xi32>
    %swap3A_137 = arith.constant 48 : index
    %swap3A_138 = tpu.vector_load %arg6[%swap3A_137] {strides = array<i32>} : memref<64xi32, #tpu.memory_space<vmem>>, vector<16xi32>,
    tpu.vector_store %arg6[%swap3A_137], %add3A_136 {strides = array<i32>} : memref<64xi32, #tpu.memory_space<vmem>>, vector<16xi32>,
    %dma_start3A = arith.constant 0 : i32
    %dma_start3A_139 = arith.constant 0 : i32
    %dma_start3A_140 = tpu.memref_slice %arg2[%dma_start3A, %dma_start3A_139] : memref<524288x128xf32, #tpu.memory_space<hbm>> -> memref<524288x128xf32, #tpu.memory_space<hbm>>
    tpu.enqueue_indirect_dma source(%dma_start3A_140 : memref<524288x128xf32, #tpu.memory_space<hbm>>) target(%arg7 : memref<64x128xf32, #tpu.memory_space<vmem>>) offsets(%arg6 : memref<64xi32, #tpu.memory_space<vmem>>) semaphore(%arg9 : memref<!tpu.dma_semaphore, #tpu.memory_space<semaphore_mem>>)
    %dma_wait3A = arith.constant 0 : i32
    %dma_wait3A_141 = arith.constant 0 : i32
    %dma_wait3A_142 = tpu.memref_slice %arg2[%dma_wait3A, %dma_wait3A_141] : memref<524288x128xf32, #tpu.memory_space<hbm>> -> memref<524288x128xf32, #tpu.memory_space<hbm>>
    tpu.wait_indirect_dma semaphore(%arg9 : memref<!tpu.dma_semaphore, #tpu.memory_space<semaphore_mem>>) src(%dma_wait3A_142 : memref<524288x128xf32, #tpu.memory_space<hbm>>) dst(%arg7 : memref<64x128xf32, #tpu.memory_space<vmem>>)
    %get3A_143 = arith.constant 0 : index
    %get3A_144 = tpu.vector_load %arg5[%get3A_143] {strides = array<i32>} : memref<64xi32, #tpu.memory_space<vmem>>, vector<16xi32>,
    %and3A_145 = arith.constant 127 : i32
    %and3A_146 = vector.broadcast %and3A_145 : i32 to vector<16xi32>
    %and3A_147 = arith.andi %get3A_144, %and3A_146 : vector<16xi32>
    %add3A_148 = arith.constant 0 : i32
    %add3A_149 = vector.broadcast %add3A_148 : i32 to vector<16xi32>
    %add3A_150 = arith.addi %add3A_149, %iota3A : vector<16xi32>
    %gather3A = tpu.vector_load_idx %arg7[%add3A_150, %and3A_147] : memref<64x128xf32, #tpu.memory_space<vmem>>[vector<16xi32>, vector<16xi32>], vector<16xf32>,
    %swap3A_151 = arith.constant 0 : index
    %swap3A_152 = tpu.vector_load %arg8[%swap3A_151] {strides = array<i32>} : memref<64xf32, #tpu.memory_space<vmem>>, vector<16xf32>,
    tpu.vector_store %arg8[%swap3A_151], %gather3A {strides = array<i32>} : memref<64xf32, #tpu.memory_space<vmem>>, vector<16xf32>,
    %get3A_153 = arith.constant 16 : index
    %get3A_154 = tpu.vector_load %arg5[%get3A_153] {strides = array<i32>} : memref<64xi32, #tpu.memory_space<vmem>>, vector<16xi32>,
    %and3A_155 = arith.constant 127 : i32
    %and3A_156 = vector.broadcast %and3A_155 : i32 to vector<16xi32>
    %and3A_157 = arith.andi %get3A_154, %and3A_156 : vector<16xi32>
    %add3A_158 = arith.constant 16 : i32
    %add3A_159 = vector.broadcast %add3A_158 : i32 to vector<16xi32>
    %add3A_160 = arith.addi %add3A_159, %iota3A : vector<16xi32>
    %gather3A_161 = tpu.vector_load_idx %arg7[%add3A_160, %and3A_157] : memref<64x128xf32, #tpu.memory_space<vmem>>[vector<16xi32>, vector<16xi32>], vector<16xf32>,
    %swap3A_162 = arith.constant 16 : index
    %swap3A_163 = tpu.vector_load %arg8[%swap3A_162] {strides = array<i32>} : memref<64xf32, #tpu.memory_space<vmem>>, vector<16xf32>,
    tpu.vector_store %arg8[%swap3A_162], %gather3A_161 {strides = array<i32>} : memref<64xf32, #tpu.memory_space<vmem>>, vector<16xf32>,
    %get3A_164 = arith.constant 32 : index
    %get3A_165 = tpu.vector_load %arg5[%get3A_164] {strides = array<i32>} : memref<64xi32, #tpu.memory_space<vmem>>, vector<16xi32>,
    %and3A_166 = arith.constant 127 : i32
    %and3A_167 = vector.broadcast %and3A_166 : i32 to vector<16xi32>
    %and3A_168 = arith.andi %get3A_165, %and3A_167 : vector<16xi32>
    %add3A_169 = arith.constant 32 : i32
    %add3A_170 = vector.broadcast %add3A_169 : i32 to vector<16xi32>
    %add3A_171 = arith.addi %add3A_170, %iota3A : vector<16xi32>
    %gather3A_172 = tpu.vector_load_idx %arg7[%add3A_171, %and3A_168] : memref<64x128xf32, #tpu.memory_space<vmem>>[vector<16xi32>, vector<16xi32>], vector<16xf32>,
    %swap3A_173 = arith.constant 32 : index
    %swap3A_174 = tpu.vector_load %arg8[%swap3A_173] {strides = array<i32>} : memref<64xf32, #tpu.memory_space<vmem>>, vector<16xf32>,
    tpu.vector_store %arg8[%swap3A_173], %gather3A_172 {strides = array<i32>} : memref<64xf32, #tpu.memory_space<vmem>>, vector<16xf32>,
    %get3A_175 = arith.constant 48 : index
    %get3A_176 = tpu.vector_load %arg5[%get3A_175] {strides = array<i32>} : memref<64xi32, #tpu.memory_space<vmem>>, vector<16xi32>,
    %and3A_177 = arith.constant 127 : i32
    %and3A_178 = vector.broadcast %and3A_177 : i32 to vector<16xi32>
    %and3A_179 = arith.andi %get3A_176, %and3A_178 : vector<16xi32>
    %add3A_180 = arith.constant 48 : i32
    %add3A_181 = vector.broadcast %add3A_180 : i32 to vector<16xi32>
    %add3A_182 = arith.addi %add3A_181, %iota3A : vector<16xi32>
    %gather3A_183 = tpu.vector_load_idx %arg7[%add3A_182, %and3A_179] : memref<64x128xf32, #tpu.memory_space<vmem>>[vector<16xi32>, vector<16xi32>], vector<16xf32>,
    %swap3A_184 = arith.constant 48 : index
    %swap3A_185 = tpu.vector_load %arg8[%swap3A_184] {strides = array<i32>} : memref<64xf32, #tpu.memory_space<vmem>>, vector<16xf32>,
    tpu.vector_store %arg8[%swap3A_184], %gather3A_183 {strides = array<i32>} : memref<64xf32, #tpu.memory_space<vmem>>, vector<16xf32>,
    "tpu.region"() ({
      %run_scoped3A = tpu.sem_alloc : memref<!tpu.dma_semaphore, #tpu.memory_space<semaphore_mem>>
      %dma_start3A_186 = tpu.memref_slice %arg4[%mul3A_2] : memref<2048xf32, #tpu.memory_space<hbm>> -> memref<64xf32, #tpu.memory_space<hbm>>
      %dma_start3A_187 = tpu.memref_slice %arg4[%mul3A_2] : memref<2048xf32, #tpu.memory_space<hbm>> -> memref<64xf32, #tpu.memory_space<hbm>>
      tpu.enqueue_dma source(%arg8 : memref<64xf32, #tpu.memory_space<vmem>>) target(%dma_start3A_187 : memref<64xf32, #tpu.memory_space<hbm>>) target_semaphore(%run_scoped3A : memref<!tpu.dma_semaphore, #tpu.memory_space<semaphore_mem>>)
      %dma_wait3A_188 = tpu.memref_slice %arg4[%mul3A_2] : memref<2048xf32, #tpu.memory_space<hbm>> -> memref<64xf32, #tpu.memory_space<hbm>>
      %dma_wait3A_189 = tpu.memref_slice %arg4[%mul3A_2] : memref<2048xf32, #tpu.memory_space<hbm>> -> memref<64xf32, #tpu.memory_space<hbm>>
      tpu.wait_dma2 semaphore(%run_scoped3A : memref<!tpu.dma_semaphore, #tpu.memory_space<semaphore_mem>>) src(%arg8 : memref<64xf32, #tpu.memory_space<vmem>>) dst(%dma_wait3A_189 : memref<64xf32, #tpu.memory_space<hbm>>)
      tpu.yield
    }) : () -> ()
    return
  }
}

module attributes {stable_mosaic.version = 14 : i64} {
  func.func @_tc_loss(%arg0: memref<16x128xf32, #tpu.memory_space<vmem>>, %arg1: memref<16x128xf32, #tpu.memory_space<vmem>>, %arg2: memref<1x1xf32, #tpu.memory_space<smem>>) attributes {dimension_semantics = [], scalar_prefetch = 0 : i64, scratch_operands = 0 : i64, tpu.core_type = #tpu.core_type<tc>} {
    %get3A = arith.constant 0 : index
    %get3A_0 = arith.constant 0 : index
    %get3A_1 = vector.load %arg0[%get3A, %get3A_0] : memref<16x128xf32, #tpu.memory_space<vmem>>, vector<16x128xf32>
    %get3A_2 = arith.constant 0 : index
    %get3A_3 = arith.constant 0 : index
    %get3A_4 = vector.load %arg1[%get3A_2, %get3A_3] : memref<16x128xf32, #tpu.memory_space<vmem>>, vector<16x128xf32>
    %log3A = math.log %get3A_1 : vector<16x128xf32>
    %neg3A = arith.constant 0.000000e+00 : f32
    %neg3A_5 = vector.broadcast %neg3A : f32 to vector<16x128xf32>
    %neg3A_6 = arith.subf %neg3A_5, %log3A : vector<16x128xf32>
    %mul3A = arith.mulf %neg3A_6, %get3A_4 : vector<16x128xf32>
    %reduce_sum3A = vector.shape_cast %mul3A : vector<16x128xf32> to vector<1x16x128xf32>
    %reduce_sum3A_7 = arith.constant dense<0.000000e+00> : vector<1xf32>
    %reduce_sum3A_8 = vector.multi_reduction <add>, %reduce_sum3A, %reduce_sum3A_7 [1, 2] : vector<1x16x128xf32> to vector<1xf32>
    %reduce_sum3A_9 = vector.shape_cast %reduce_sum3A_8 : vector<1xf32> to vector<1x1x1xf32>
    %reduce_sum3A_10 = vector.extract %reduce_sum3A_9[0, 0, 0] : f32 from vector<1x1x1xf32>
    %reduce_sum3A_11 = vector.shape_cast %get3A_4 : vector<16x128xf32> to vector<1x16x128xf32>
    %reduce_sum3A_12 = arith.constant dense<0.000000e+00> : vector<1xf32>
    %reduce_sum3A_13 = vector.multi_reduction <add>, %reduce_sum3A_11, %reduce_sum3A_12 [1, 2] : vector<1x16x128xf32> to vector<1xf32>
    %reduce_sum3A_14 = vector.shape_cast %reduce_sum3A_13 : vector<1xf32> to vector<1x1x1xf32>
    %reduce_sum3A_15 = vector.extract %reduce_sum3A_14[0, 0, 0] : f32 from vector<1x1x1xf32>
    %div3A = arith.divf %reduce_sum3A_10, %reduce_sum3A_15 : f32
    %swap3A = arith.constant 0 : index
    %swap3A_16 = arith.constant 0 : index
    %swap3A_17 = memref.load %arg2[%swap3A, %swap3A_16] : memref<1x1xf32, #tpu.memory_space<smem>>
    memref.store %div3A, %arg2[%swap3A, %swap3A_16] : memref<1x1xf32, #tpu.memory_space<smem>>
    return
  }
}

</mosaic_0001>

<sc_bundles>
// kernel: kernel.4.cloned.1.call-start
scs
__scs_entry_jumppad:
0x0: {  	(pc) =	sbr.rel $0x88, $3  }
0x1: {  	(tag) =	ssettag $0x0;
	lr =	simm.s32 $0x1  }
0x2: {  	[smem:$0x3F9E] =	sst lr;
	_ =	strace $0xD0000000  }
0x3: {  	_ = 	snop  }
0x4: {  	_ = 	snop  }
0x5: {  	_ = 	snop  }
0x6: {  	_ = 	snop  }
0x7: {  	_ = 	snop  }
__scs_overlays_trampoline_lowered:
0x8: {  	[smem:$0x3FAD] =	sst s0  }
0x9: {  	[smem:$0x3FAE] =	sst s1  }
0xa: {  	[smem:$0x3FAF] =	sst s2  }
0xb: {  	[smem:$0x3FB0] =	sst s3  }
0xc: {  	[smem:$0x3FB1] =	sst s4  }
0xd: {  	[smem:$0x3FB2] =	sst s5  }
0xe: {  	[smem:$0x3FB3] =	sst s6  }
0xf: {  	[smem:$0x3FB4] =	sst s7  }
0x10: {  	[smem:$0x3FB5] =	sst s8  }
0x11: {  	[smem:$0x3FB6] =	sst s9;
	s0 =	simm.s32 @!p0 $0x0  }
0x12: {  	s1 =	sld [smem:$0x3F9C];
	s0 =	simm.s32 @p0 $0x1  }
0x13: {  	[smem:$0x3FB7] =	sst s0;
	s0 =	simm.s32 @!p1 $0x0  }
0x14: {  	s2 =	sld [smem:$0x3F9B];
	s0 =	simm.s32 @p1 $0x1  }
0x15: {  	[smem:$0x3FB8] =	sst s0;
	s0 =	simm.s32 @!p2 $0x0  }
0x16: {  	s3 =	sld [smem:$0x3FDB];
	s0 =	simm.s32 @p2 $0x1  }
0x17: {  	s4 =	simm.s32 $0x1BF5;
	[smem:$0x3FBA] =	sst s0  }
0x18: {  	s0 =	sld [smem:$0x3F9D];
	_ =	swait.ge [sflag:s4], $0x0  }
0x19: {  	s7 =	sld [smem:$0x3F9E]  }
0x1a: {  	s8 =	sadd.s32 $0xFFFFE003, lr  }
0x1b: {  	s9 =	sadd.s32 $0xFFFFFEF7, lr;
	s5 =	simm.s32 $0xFFFFFFFF;
	p2 =	slt.u32 s8, $0xFFFFF086  }
0x1c: {  	p1 =	slt.u32 s9, $0xF7A;
	s5 =	simm.s32 @!p2 $0x0  }
0x1d: {  	s5 =	simm.s32 @p1 $0x1;
	p0 =	seq.s32 s7, s2  }
0x1e: {  	s7 =	smul.u32 @!p0 $0xF7A, s2;
	p2 =	seq.s32 @!p0 s5, $0x0  }
0x1f: {  	s9 =	smul.u32 $0xF7A, s1;
	s8 =	simm.s32 @!p0 $0x1BF5;
	p2 =	por !p2, p0  }
0x20: {  	[sflag:s8] =	ssyncset.s32 @!p0 $0xFFFFF086;
	s6 =	sadd.s32 @!p0 s3, s7;
	s7 =	simm.s32 @!p0 $0x108  }
0x21: {  	s3 =	sadd.s32 s3, s9;
	s6 =	sadd.s32 @!p0 $0x88, s6;
	s7 =	simm.s32 @p2 $0x1082  }
0x22: {  	[simem:s7], [sflag:s8] =	dma.local @!p0 [hbm:s6], $0xF7A  }
0x23: {  	s9 =	sor.u32 $0xD0000000, s2;
	s6 =	simm.s32 $0x108;
	_ =	swait.ge @!p0 [sflag:s8], $0x0  }
0x24: {  	s3 =	sadd.s32 $0x88, s3;
	s6 =	simm.s32 @!p1 $0x1082;
	[sflag:s4] =	ssyncset.s32 $0xFFFFF086  }
0x25: {  	[simem:s6], [sflag:s4] =	dma.local [hbm:s3], $0xF7A  }
0x26: {  	[smem:$0x3F9E] =	sst s1;
	(tag) =	ssettag s2;
	_ =	strace s9  }
0x27: {  	s1 =	sld [smem:$0x3FAE]  }
0x28: {  	s2 =	sld [smem:$0x3FAF]  }
0x29: {  	s4 =	sld [smem:$0x3FB1]  }
0x2a: {  	p0 =	seq.s32 s5, $0x0;
	s5 =	sld [smem:$0x3FB2]  }
0x2b: {  	s6 =	sld [smem:$0x3FB3]  }
0x2c: {  	s7 =	sld [smem:$0x3FB4]  }
0x2d: {  	s3 =	simm.s32 $0x108;
	s8 =	sld [smem:$0x3FB5]  }
0x2e: {  	s3 =	simm.s32 @!p0 $0x1082;
	s9 =	sld [smem:$0x3FB6]  }
0x2f: {  	lr =	sadd.s32 s0, s3;
	s0 =	sld [smem:$0x3FAD]  }
0x30: {  	s3 =	sld [smem:$0x3FB0]  }
0x31: {  	[smem:$0x3FB9] =	sst s10  }
0x32: {  	s10 =	sld [smem:$0x3FB7];
	_ =	sdelay $0x3  }
0x33: {  	p0 =	seq.s32 s10, $0x1;
	s10 =	sld [smem:$0x3FB9];
	_ =	sdelay $0x3  }
0x34: {  	[smem:$0x3FB9] =	sst s10  }
0x35: {  	s10 =	sld [smem:$0x3FB8];
	_ =	sdelay $0x3  }
0x36: {  	p1 =	seq.s32 s10, $0x1;
	s10 =	sld [smem:$0x3FB9];
	_ =	sdelay $0x3  }
0x37: {  	[smem:$0x3FB9] =	sst s10  }
0x38: {  	s10 =	sld [smem:$0x3FBA]  }
0x39: {  	_ = 	snop;
	(pc) =	sbr.ind lr, $3  }
0x3a: {  	_ = 	snop  }
0x3b: {  	_ = 	snop  }
0x3c: {  	p2 =	seq.s32 s10, $0x1;
	s10 =	sld [smem:$0x3FB9]  }
0x3d: {  	_ =	shalt  }
0x3e: {  	_ =	shalt  }
0x3f: {  	_ =	shalt  }
0x40: {  	_ =	shalt  }
0x41: {  	_ =	shalt  }
0x42: {  	_ =	shalt  }
0x43: {  	_ =	shalt  }
0x44: {  	_ =	shalt  }
0x45: {  	_ =	shalt  }
0x46: {  	_ =	shalt  }
0x47: {  	_ =	shalt  }
0x48: {  	_ =	shalt  }
0x49: {  	_ =	shalt  }
0x4a: {  	_ =	shalt  }
0x4b: {  	_ =	shalt  }
0x4c: {  	_ =	shalt  }
0x4d: {  	_ =	shalt  }
0x4e: {  	_ =	shalt  }
0x4f: {  	_ =	shalt  }
0x50: {  	_ =	shalt  }
0x51: {  	_ =	shalt  }
0x52: {  	_ =	shalt  }
0x53: {  	_ =	shalt  }
0x54: {  	_ =	shalt  }
0x55: {  	_ =	shalt  }
0x56: {  	_ =	shalt  }
0x57: {  	_ =	shalt  }
0x58: {  	_ =	shalt  }
0x59: {  	_ =	shalt  }
0x5a: {  	_ =	shalt  }
0x5b: {  	_ =	shalt  }
0x5c: {  	_ =	shalt  }
0x5d: {  	_ =	shalt  }
0x5e: {  	_ =	shalt  }
0x5f: {  	_ =	shalt  }
0x60: {  	_ =	shalt  }
0x61: {  	_ =	shalt  }
0x62: {  	_ =	shalt  }
0x63: {  	_ =	shalt  }
0x64: {  	_ =	shalt  }
0x65: {  	_ =	shalt  }
0x66: {  	_ =	shalt  }
0x67: {  	_ =	shalt  }
0x68: {  	_ =	shalt  }
0x69: {  	_ =	shalt  }
0x6a: {  	_ =	shalt  }
0x6b: {  	_ =	shalt  }
0x6c: {  	_ =	shalt  }
0x6d: {  	_ =	shalt  }
0x6e: {  	_ =	shalt  }
0x6f: {  	_ =	shalt  }
0x70: {  	_ =	shalt  }
0x71: {  	_ =	shalt  }
0x72: {  	_ =	shalt  }
0x73: {  	_ =	shalt  }
0x74: {  	_ =	shalt  }
0x75: {  	_ =	shalt  }
0x76: {  	_ =	shalt  }
0x77: {  	_ =	shalt  }
0x78: {  	_ =	shalt  }
0x79: {  	_ =	shalt  }
0x7a: {  	_ =	shalt  }
0x7b: {  	_ =	shalt  }
0x7c: {  	_ =	shalt  }
0x7d: {  	_ =	shalt  }
0x7e: {  	_ =	shalt  }
0x7f: {  	_ =	shalt  }
0x80: {  	_ =	shalt  }
0x81: {  	_ =	shalt  }
0x82: {  	_ =	shalt  }
0x83: {  	_ =	shalt  }
0x84: {  	_ =	shalt  }
0x85: {  	_ =	shalt  }
0x86: {  	_ =	shalt  }
0x87: {  	_ =	shalt  }
.Lfunc_end0:
.L_simem_size_0:
called_computation_lowered:
.L_overlay_start_0:
0x88: {  	s2 =	sld [smem:$0x3FD9]  }
0x89: {  	s3 =	sld [smem:$0x3FFE];
	_ =	sdelay $0x1  }
0x8a: {  	s1 =	srdreg.scid  }
0x8b: {  	s0 =	sand.u32 $0x1, s1  }
0x8c: {  	s17 =	sshll.u32 s0, $0xA;
	s2 =	sadd.s32 s3, s2  }
0x8d: {  	s2 =	sadd.s32 s2, s17  }
0x8e: {  	[smem:$0x3FC5] =	sst s2  }
0x8f: {  	_ = 	snop  }
0x90: {  	s2 =	sld [smem:$0x3FC9];
	(tm) =	ssettm $0x1  }
0x91: {  	s18 =	sld [smem:$0x3FFB];
	_ =	sdelay $0x3  }
0x92: {  	_ =	strace s18  }
0x93: {  	s3 =	sld [smem:$0x3FFC];
	_ =	sdelay $0x3  }
0x94: {  	_ =	strace s3  }
0x95: {  	s3 =	sld [smem:$0x3FFD];
	_ =	sdelay $0x3  }
0x96: {  	_ =	strace s3  }
0x97: {  	_ =	strace $0x8FFFFFFF  }
0x98: {  	s19 =	sld [smem:$0x3FDB];
	_ =	sdelay $0x1  }
0x99: {  	s4 =	simm.s32 $_scs_section_size  }
0x9a: {  	s5 =	simm.s32 $_size__tile_overlayer_lowered;
	s6 =	simm.s32 $_tile_overlayer_lowered  }
0x9b: {  	s22 =	simm.s32 $0x1BFF;
	s21 =	sshll.u32 s6, $0x1;
	s3 =	sadd.s32 s4, s19  }
0x9c: {  	s7 =	simm.s32 $0x0;
	s20 =	sshll.u32 s5, $0x1;
	s5 =	sadd.s32 s21, s3  }
0x9d: {  	[timem:s7], [sflag:s22] =	dma.local [hbm:s5], s20  }
0x9e: {  	_ =	swait.ge [sflag:s22], s20  }
0x9f: {  	s4 =	ssub.s32 $0x0, s20;
	[sflag:s22] =	ssyncset.done $0x0  }
0xa0: {  	[sflag:s22] =	ssyncadd.s32 s4;
	_ =	sdelay $0x1  }
0xa1: {  	s23 =	simm.s32 $0x1B8B  }
0xa2: {  	_ =	swait.ge [sflag:s23], $0x1  }
0xa3: {  	[sflag:s23] =	ssyncset.done $0x0  }
0xa4: {  	s25 =	simm.s32 $0x1B8E;
	s24 =	sld [smem:$0x3FFE];
	[sflag:s23] =	ssyncadd.s32 $0xFFFFFFFF  }
0xa5: {  	s26 =	simm.s32 $execute0_lowered;
	[smem:$0x3FD2] =	sst s25  }
0xa6: {  	s5 =	sshll.u32 s26, $0x1;
	_ =	strace $0x80000046;
	[dreg:$0x1] =	wrdreg $0xFFFFFFFF  }
0xa7: {  	s28 =	simm.s32 $_size_execute0_lowered;
	s3 =	sadd.s32 s3, s5;
	[dreg:$0x0] =	wrdreg $0x0  }
0xa8: {  	s5 =	sshll.u32 s28, $0x1;
	[dreg:$0x2] =	wrdreg s3  }
0xa9: {  	[dreg:$0x3] =	wrdreg s5  }
0xaa: {  	[dreg:$0x4] =	wrdreg $0xC0  }
0xab: {  	_ =	task [dreg:s7], $0x5FFFF  }
0xac: {  	[dreg:$0x1] =	wrdreg $0xFFFFFFFF  }
0xad: {  	[dreg:$0x0] =	wrdreg $0x60  }
0xae: {  	[dreg:$0x2] =	wrdreg s2  }
0xaf: {  	[dreg:$0x3] =	wrdreg s24  }
0xb0: {  	[dreg:$0x4] =	wrdreg $0x9  }
0xb1: {  	_ =	task.clear_ibuf [dreg:s7], $0x5FFFF;
	_ =	strace $0x90000046  }
0xb2: {  	s29 =	simm.s32 $0x9;
	_ =	strace $0x80000048  }
0xb3: {  	_ =	swait.ge [sflag:s29], $0x1  }
0xb4: {  	[sflag:s29] =	ssyncadd.s32 $0xFFFFFFFF  }
0xb5: {  	_ =	strace $0x90000048  }
0xb6: {  	_ =	sfence  }
0xb7: {  	s30 =	sld [smem:$0x0];
	_ =	sdelay $0x2  }
0xb8: {  	s31 =	sshll.u32 s1, $0xD;
	s1 =	sshrl.u32 s1, $0x2  }
0xb9: {  	s3 =	sand.u32 $0x4000, s31;
	s1 =	sadd.s32 s1, s30  }
0xba: {  	s0 =	sor.u32 s3, s0;
	s1 =	sshll.u32 s1, $0x11  }
0xbb: {  	s0 =	sor.u32 s1, s0  }
0xbc: {  	s0 =	sadd.s32 $0x8F2B, s0  }
0xbd: {  	[sflag:s0] =	ssyncadd.remote.s32 $0x1  }
0xbe: {  	_ =	sfence.sel $0xFFFF  }
0xbf: {  	[dreg:$0x0] =	wrdreg $0xFFFFFFFF;
	(pc) =	sbr.abs _section_cstart, $3  }
0xc0: {  	[dreg:$0x1] =	wrdreg $0xFFFFFFFF  }
0xc1: {  	_ =	task.clear_ibuf [dreg:s7], $0x2FFFF;
	_ =	strace $0x9FFFFFFF  }
0xc2: {  	(tm) =	ssettm $0x7FFFFFFF  }
0xc3: {  	_ =	shalt  }
tec
execute0_lowered:
.L_overlay_start_1:
0x0: {  	(tag) =	ssettag $0x1  }
0x1: {  	s1 =	srdreg.scid  }
0x2: {  	s0 =	stileid.u32;
	s10 =	sand.u32 $0x1, s1  }
0x3: {  	v1 =	vimm.s32 $0x0;
	vm0 =	vcmask $0x300;
	v2 =	vimm.s32 $0x76543210;
	s31 =	sshll.u32 s0, $0x7;
	s2 =	sshll.u32 s10, $0x6  }
0x4: {  	v3 =	vimm.s32 $0x1807;
	vm4 =	vcmask $0x704;
	vm5 =	vcmask $0xB08;
	s6 =	sor.u32 s2, s31  }
0x5: {  	s4 =	rddreg [dreg:$0x1];
	vm1 =	vcmask $0x1F00;
	vm6 =	vcmask $0xF0C;
	v0 =	vmov s6  }
0x6: {  	s3 =	simm.s32 $0x0;
	vm7 =	vcmask $0x1310;
	v1 =	vsel vm0, $0xD, v1;
	s1 =	rddreg [dreg:$0x2];
	v0 =	vshrl.u32 v0, $0x5  }
0x7: {  	vm8 =	vcmask $0x2320;
	vm9 =	vcmask $0x1714;
	[smem:$0x7FF] =	sst s3;
	s5 =	sshrl.u32 s6, $0x3;
	v0 =	vshll.u32 v0, v1  }
0x8: {  	v2 =	vunpack.c.l.s4.s8 v2;
	s2 =	rddreg [dreg:$0x0];
	s11 =	sadd.s32 s5, s4;
	v4 =	vbroadcast v0, $0x0;
	v0 =	vsel vm0, $0x1000, v3  }
0x9: {  	vm10 =	vcmask $0x1B18;
	vm2 =	vcmask $0x2724;
	_ =	strace $0x80000047;
	s4 =	simm.s32 $0x2;
	s5 =	sadd.s32 $0x800, s11;
	v0 =	vsel vm4, $0x1001, v0  }
0xa: {  	vm11 =	vcmask $0x1F1C;
	v2 =	vunpack.c.0.s8.s32 v2;
	[tilespmem:s3], [sflag:$0x2] =	stream.linear.gather [hbm4b:s5+s3], $0x40, $0x38;
	v0 =	vsel vm5, $0x1002, v0;
	[tilespmem:$0x2180] =	vst v63  }
0xb: {  	vm3 =	vcmask $0x2B28;
	vm12 =	vcmask $0x2F2C;
	_ =	swait.ge [sflag:s4], $0x40;
	v0 =	vsel vm6, $0x1003, v0  }
0xc: {  	vm13 =	vcmask $0x3330;
	v2 =	vnsel vm1, $0x807, v2;
	[sflag:s4] =	ssyncset.done $0x0;
	v0 =	vsel vm7, $0x1004, v0  }
0xd: {  	vm14 =	vcmask $0x3734;
	s6 =	sor.u32 $0x20, s6;
	v2 =	vsel vm8, $0x800, v2;
	[sflag:s4] =	ssyncadd.s32 $0xFFFFFFC0;
	v0 =	vsel vm9, $0x1005, v0  }
0xe: {  	v2 =	vsel vm2, $0x801, v2;
	v3 =	vmov s6;
	v5 =	vld [tilespmem:$0x30];
	v0 =	vsel vm10, $0x1006, v0  }
0xf: {  	v2 =	vsel vm3, $0x802, v2;
	v3 =	vshrl.u32 v3, $0x5;
	v6 =	vld [tilespmem:$0x20];
	v0 =	vsel vm11, $0x1007, v0  }
0x10: {  	v2 =	vsel vm12, $0x803, v2;
	v1 =	vshll.u32 v3, v1;
	v3 =	vld [tilespmem:$0x10];
	v0 =	vsel vm8, $0x1800, v0  }
0x11: {  	vm15 =	vcmask $0x3B38;
	v2 =	vsel vm13, $0x804, v2;
	v0 =	vsel vm2, $0x1801, v0  }
0x12: {  	v7 =	vbroadcast v1, $0x0;
	v2 =	vsel vm14, $0x805, v2;
	v0 =	vsel vm3, $0x1802, v0  }
0x13: {  	v8 =	vld [tilespmem:$0x0];
	v9 =	vsel vm15, $0x806, v2;
	v0 =	vsel vm12, $0x1803, v0  }
0x14: {  	v1 =	vor.u32 v9, v7;
	v5 =	vshra.s32 v5, $0x4;
	v0 =	vsel vm13, $0x1804, v0  }
0x15: {  	v6 =	vshra.s32 v6, $0x4;
	v3 =	vshra.s32 v3, $0x4;
	v0 =	vsel vm14, $0x1805, v0  }
0x16: {  	v5 =	vand.u32 $0xFFFFFFF8, v5;
	v6 =	vand.u32 $0xFFFFFFF8, v6;
	v2 =	vsel vm15, $0x1806, v0  }
0x17: {  	v6 =	vadd.s32 v6, v1;
	v0 =	vor.u32 v2, v4;
	v2 =	vor.u32 v2, v7  }
0x18: {  	[tilespmem:$0xA0] =	vst v6;
	v7 =	vshra.s32 v8, $0x4;
	v8 =	vand.u32 $0xFFFFFFF8, v3;
	v5 =	vadd.s32 v5, v2  }
0x19: {  	v3 =	vor.u32 v9, v4;
	v4 =	vand.u32 $0xFFFFFFF8, v7;
	[tilespmem:$0xB0] =	vst v5;
	v5 =	vadd.s32 v8, v0  }
0x1a: {  	s7 =	simm.s32 $0x80;
	v4 =	vadd.s32 v4, v3;
	[tilespmem:$0x90] =	vst v5  }
0x1b: {  	s8 =	simm.s32 $0x100;
	s9 =	simm.s32 $0x1;
	s6 =	simm.s32 $0x40;
	[tilespmem:$0x80] =	vst v4  }
0x1c: {  	[tilespmem:s8], [sflag:$0x1] =	stream.indirect.gather [hbm4b:s2+s6], $0x80, s7, s6, $0xb8;
	[tilespmem:$0x2180] =	vst v63  }
0x1d: {  	_ =	swait.ge [sflag:s9], $0x2000  }
0x1e: {  	[sflag:s9] =	ssyncset.done $0x0  }
0x1f: {  	[sflag:s9] =	ssyncadd.s32 $0xFFFFE000  }
0x20: {  	v5 =	vld [tilespmem:$0x0];
	_ =	sdelay $0x2  }
0x21: {  	v4 =	vlaneseq.u32  }
0x22: {  	v4 =	vmul.u32 $0x80, v4  }
0x23: {  	v5 =	vand.u32 $0x7F, v5  }
0x24: {  	v6 =	vld [tilespmem:$0x10];
	v7 =	vor.u32 v4, v5;
	_ =	sdelay $0x4  }
0x25: {  	v6 =	vand.u32 $0x7F, v6;
	v5 =	vor.u32 $0x800, v4;
	v7 =	vld.idx.msk [tilespmem:v7+s8+$0x0], $0xffff  }
0x26: {  	v8 =	vld [tilespmem:$0x20];
	v61 =	vor.u32 v5, v6;
	_ =	sdelay $0x3  }
0x27: {  	[tilespmem:$0x2100] =	vst v7  }
0x28: {  	v6 =	vor.u32 $0x1000, v4;
	v7 =	vand.u32 $0x7F, v8;
	v8 =	vld.idx.msk [tilespmem:v61+s8+$0x0], $0xffff  }
0x29: {  	v62 =	vld [tilespmem:$0x30];
	v10 =	vor.u32 v6, v7;
	_ =	sdelay $0x3  }
0x2a: {  	[tilespmem:$0x2110] =	vst v8  }
0x2b: {  	v7 =	vor.u32 $0x1800, v4;
	v8 =	vand.u32 $0x7F, v62;
	v63 =	vld.idx.msk [tilespmem:v10+s8+$0x0], $0xffff  }
0x2c: {  	v8 =	vor.u32 v7, v8  }
0x2d: {  	s10 =	ssub.s32 $0x2, s10  }
0x2e: {  	s12 =	sshrl.u32 s10, $0x1  }
0x2f: {  	s10 =	ssub.s32 s10, s12  }
0x30: {  	s12 =	smax.u32 s10, $0x1;
	[tilespmem:$0x2120] =	vst v63  }
0x31: {  	p0 =	sne.s32 s12, $0x1;
	v8 =	vld.idx.msk [tilespmem:v8+s8+$0x0], $0xffff  }
.Ltmp0:
0x32: {  	_ = 	snop;
	(pc) =	sbr.rel @!p0 .LBB2_2-.Ltmp0, $2  }
0x33: {  	_ =	sdelay $0x2  }
0x34: {  	s10 =	sadd.s32 $0xA00, s11;
	s11 =	simm.s32 $0x2100;
	s12 =	sadd.s32 $0xFFFFFFFF, s12;
	[tilespmem:$0x2130] =	vst v8  }
.LBB2_1:
0x35: {  	[hbm4b:s10+s3] =	stream.linear.scatter [tilespmem:s11], [sflag:$0x2], $0x40, $0x38;
	[tilespmem:$0x2180] =	vst v63  }
0x36: {  	p0 =	sne.s32 s12, $0x1;
	s12 =	sadd.s32 $0xFFFFFFFF, s12;
	_ =	swait.ge [sflag:s4], $0x40  }
0x37: {  	[sflag:s4] =	ssyncset.done $0x0  }
0x38: {  	[sflag:s4] =	ssyncadd.s32 $0xFFFFFFC0  }
0x39: {  	[tilespmem:s3], [sflag:$0x2] =	stream.linear.gather [hbm4b:s5+s3], $0x40, $0x38;
	[tilespmem:$0x2180] =	vst v63  }
0x3a: {  	_ =	swait.ge [sflag:s4], $0x40  }
0x3b: {  	[sflag:s4] =	ssyncset.done $0x0  }
0x3c: {  	[sflag:s4] =	ssyncadd.s32 $0xFFFFFFC0  }
0x3d: {  	v8 =	vld [tilespmem:$0x30]  }
0x3e: {  	v9 =	vld [tilespmem:$0x20]  }
0x3f: {  	v10 =	vld [tilespmem:$0x10]  }
0x40: {  	v11 =	vld [tilespmem:$0x0];
	_ =	sdelay $0x1  }
0x41: {  	v8 =	vshra.s32 v8, $0x4  }
0x42: {  	v9 =	vshra.s32 v9, $0x4;
	v8 =	vand.u32 $0xFFFFFFF8, v8  }
0x43: {  	v10 =	vshra.s32 v10, $0x4;
	v9 =	vand.u32 $0xFFFFFFF8, v9;
	v8 =	vadd.s32 v8, v2  }
0x44: {  	v11 =	vshra.s32 v11, $0x4;
	v10 =	vand.u32 $0xFFFFFFF8, v10;
	v9 =	vadd.s32 v9, v1;
	[tilespmem:$0xB0] =	vst v8  }
0x45: {  	v8 =	vand.u32 $0xFFFFFFF8, v11;
	v10 =	vadd.s32 v10, v0;
	[tilespmem:$0xA0] =	vst v9  }
0x46: {  	v8 =	vadd.s32 v8, v3;
	[tilespmem:$0x90] =	vst v10  }
0x47: {  	[tilespmem:$0x80] =	vst v8  }
0x48: {  	[tilespmem:s8], [sflag:$0x1] =	stream.indirect.gather [hbm4b:s2+s6], $0x80, s7, s6, $0xb8;
	[tilespmem:$0x2180] =	vst v63  }
0x49: {  	_ =	swait.ge [sflag:s9], $0x2000  }
0x4a: {  	[sflag:s9] =	ssyncset.done $0x0  }
0x4b: {  	[sflag:s9] =	ssyncadd.s32 $0xFFFFE000  }
0x4c: {  	v8 =	vld [tilespmem:$0x0]  }
0x4d: {  	v9 =	vld [tilespmem:$0x10]  }
0x4e: {  	v10 =	vld [tilespmem:$0x20]  }
0x4f: {  	v11 =	vld [tilespmem:$0x30];
	_ =	sdelay $0x1  }
0x50: {  	v8 =	vand.u32 $0x7F, v8  }
0x51: {  	v8 =	vor.u32 v4, v8;
	v9 =	vand.u32 $0x7F, v9  }
0x52: {  	v10 =	vand.u32 $0x7F, v10  }
0x53: {  	v11 =	vand.u32 $0x7F, v11;
	_ =	sdelay $0x2  }
0x54: {  	v8 =	vld.idx.msk [tilespmem:v8+s8+$0x0], $0xffff  }
0x55: {  	v9 =	vor.u32 v5, v9;
	_ =	sdelay $0x4  }
0x56: {  	[tilespmem:$0x2100] =	vst v8  }
0x57: {  	v8 =	vld.idx.msk [tilespmem:v9+s8+$0x0], $0xffff  }
0x58: {  	v9 =	vor.u32 v6, v10;
	_ =	sdelay $0x4  }
0x59: {  	[tilespmem:$0x2110] =	vst v8  }
0x5a: {  	v8 =	vld.idx.msk [tilespmem:v9+s8+$0x0], $0xffff  }
0x5b: {  	v9 =	vor.u32 v7, v11;
	_ =	sdelay $0x4  }
0x5c: {  	[tilespmem:$0x2120] =	vst v8  }
0x5d: {  	v8 =	vld.idx.msk [tilespmem:v9+s8+$0x0], $0xffff;
	_ =	sdelay $0x1  }
.Ltmp1:
0x5e: {  	(pc) =	sbr.rel @p0 .LBB2_1-.Ltmp1, $2  }
0x5f: {  	_ =	sdelay $0x2  }
0x60: {  	[tilespmem:$0x2130] =	vst v8  }
.LBB2_2:
0x61: {  	[hbm4b:s10+s3] =	stream.linear.scatter [tilespmem:s11], [sflag:$0x2], $0x40, $0x38;
	[tilespmem:$0x2180] =	vst v63  }
0x62: {  	_ =	swait.ge [sflag:s4], $0x40  }
0x63: {  	[sflag:s4] =	ssyncset.done $0x0  }
0x64: {  	[sflag:s4] =	ssyncadd.s32 $0xFFFFFFC0  }
0x65: {  	_ =	sfence.sel $0x180000  }
0x66: {  	[bflag:$0x0] =	sbarrier.arrive $0xFFFF  }
0x67: {  	p0 =	sne.s32 s0, $0x0;
	_ =	strace $0x90000047  }
0x68: {  	s0 =	sadd.s32 @!p0 $0x100000, s1;
	[bflag:$0x2] =	sbarrier.arrive $0xFFFF  }
0x69: {  	[sflag:s0] =	ssyncadd.tile.s32 @!p0 $0x1;
	_ =	shalt  }
.Lfunc_end2:
_tile_overlayer_lowered:
.L_overlay_start_2:
0x6a: {  	(tag) =	ssettag $0x2  }
0x6b: {  	s0 =	rddreg [dreg:$0x0];
	s2 =	stileid.u32  }
0x6c: {  	s1 =	rddreg [dreg:$0x1];
	p0 =	sne.s32 s2, $0x0  }
0x6d: {  	s3 =	rddreg [dreg:$0x2];
	[bflag:$0x3] =	sbarrier.arrive $0xFFFF;
	s2 =	simm.s32 @!p0 $0x1C02  }
0x6e: {  	[timem:s3], [sflag:s2] =	dma.local @!p0 [hbm:s0], s1  }
0x6f: {  	s0 =	simm.s32 @!p0 $0x2  }
0x70: {  	_ =	swait.ge @!p0 [sflag:s0], s1  }
0x71: {  	s1 =	ssub.s32 @!p0 $0x0, s1;
	[sflag:s0] =	ssyncset.done @!p0 $0x0  }
0x72: {  	[sflag:s0] =	ssyncadd.s32 @!p0 s1  }
0x73: {  	[bflag:$0x3] =	sbarrier.arrive $0xFFFF  }
0x74: {  	_ =	shalt  }

</sc_bundles>
